<compile_context>
chip_gen: v7x
topology: tpu7x:2x2x1
jax: 0.10.2.dev20260603
libtpu: 0.0.44.dev20260713+nightly
codegen_flags: <defaults>
</compile_context>

<pallas_src>
import functools

import jax
import jax.numpy as jnp
from jax import lax
from jax.experimental import pallas as pl
from jax.experimental.pallas import tpu as pltpu
from jax.experimental.pallas import tpu_sc as plsc

_TOTAL = 32768
_NB = 16
_L = 16

_info = plsc.get_sparse_core_info()
_NS = _info.num_subcores
_NW = _NS
_PPW = _TOTAL // _NW

_mesh = plsc.VectorSubcoreMesh(
    core_axis_name="c", subcore_axis_name="s", num_cores=1
)


@functools.partial(
    pl.kernel,
    mesh=_mesh,
    out_type=(
        jax.ShapeDtypeStruct((3, _TOTAL), jnp.float32),
        jax.ShapeDtypeStruct((_TOTAL,), jnp.int32),
    ),
    compiler_params=pltpu.CompilerParams(
        needs_layout_passes=False, use_tc_tiling_on_sc=False
    ),
    scratch_types=[
        pltpu.VMEM((_NB * 16,), jnp.float32),
        pltpu.VMEM((3, _PPW), jnp.float32),
        pltpu.VMEM((_PPW,), jnp.int32),
        pltpu.VMEM((3, _PPW), jnp.float32),
        [pltpu.VMEM((_NB,), jnp.float32) for _ in range(12)],
        pltpu.SemaphoreType.DMA,
        pltpu.SemaphoreType.DMA,
        pltpu.SemaphoreType.DMA,
    ],
)
def _se3_sc(
    tr_hbm, pos_hbm, bat_hbm, out_hbm, bat_out_hbm,
    tr_v, pos_v, bat_v, out_v, tabs, sem_t, sem_p, sem_b,
):
    wid = lax.axis_index("s")
    pbase = wid * _PPW
    cp_t = pltpu.async_copy(tr_hbm, tr_v, sem_t)
    cp_p = pltpu.async_copy(pos_hbm.at[:, pl.ds(pbase, _PPW)], pos_v, sem_p)
    cp_b = pltpu.async_copy(bat_hbm.at[pl.ds(pbase, _PPW)], bat_v, sem_b)
    cp_t.wait()

    iota = lax.iota(jnp.int32, _L)
    for c in range(12):
        tabs[c][...] = plsc.load_gather(tr_v, [iota + c * 16])
    cp_b.wait()
    cp_bo = pltpu.async_copy(bat_v, bat_out_hbm.at[pl.ds(pbase, _PPW)], sem_b)
    cp_p.wait()

    @plsc.parallel_loop(0, _PPW // _L, unroll=2)
    def body(k):
        p = k * _L
        b = bat_v[pl.ds(p, _L)]
        r00 = plsc.load_gather(tabs[0], [b])
        r01 = plsc.load_gather(tabs[1], [b])
        r02 = plsc.load_gather(tabs[2], [b])
        p0 = plsc.load_gather(tabs[3], [b])
        r10 = plsc.load_gather(tabs[4], [b])
        r11 = plsc.load_gather(tabs[5], [b])
        r12 = plsc.load_gather(tabs[6], [b])
        p1 = plsc.load_gather(tabs[7], [b])
        r20 = plsc.load_gather(tabs[8], [b])
        r21 = plsc.load_gather(tabs[9], [b])
        r22 = plsc.load_gather(tabs[10], [b])
        p2 = plsc.load_gather(tabs[11], [b])
        x = pos_v[0, pl.ds(p, _L)]
        y = pos_v[1, pl.ds(p, _L)]
        z = pos_v[2, pl.ds(p, _L)]
        out_v[0, pl.ds(p, _L)] = r00 * x + r01 * y + r02 * z + p0
        out_v[1, pl.ds(p, _L)] = r10 * x + r11 * y + r12 * z + p1
        out_v[2, pl.ds(p, _L)] = r20 * x + r21 * y + r22 * z + p2

    cp_o = pltpu.async_copy(out_v, out_hbm.at[:, pl.ds(pbase, _PPW)], sem_p)
    cp_o.wait()
    cp_bo.wait()


def kernel(trans, pos, batch):
    trc = trans.transpose(1, 2, 0).reshape(-1)
    outT, new_batch = _se3_sc(trc, pos.T, batch.astype(jnp.int32))
    return outT.T, new_batch

# --- scband reference (transcript-rebuilt; emitter-appended) ---
"""Pipeline reference for scband-se3-transform-16698832847083 (READ-ONLY COPY).

The authoritative reference and input builder live on the scoring server;
editing this copy changes nothing except your own understanding.
"""

import jax, jax.numpy as jnp
import numpy as np

TOTAL_TOK = 32768
B = 16

def setup_inputs(seed: int = 0) -> dict:
    key = jax.random.key(seed)
    k1, k2, k3 = jax.random.split(key, 3)
    trans = jax.random.normal(k1, (B, 4, 4), dtype=jnp.float32)
    pos = jax.random.normal(k2, (TOTAL_TOK, 3), dtype=jnp.float32)
    batch = jnp.sort(jax.random.randint(k3, (TOTAL_TOK,), 0, B, dtype=jnp.int64))
    return {"trans": trans, "pos": pos, "batch": batch}

def reference(trans, pos, batch):
    # SE3Transform forward with conv_type='SPARSE', trans_x=False.
    # multi_partial_transform with num_multi = trans.view(-1,4,4).shape[0] // num_batch == 1,
    # so new_xyz/new_batch are just the originals and partial_transform applies
    # per-segment rigid transforms: xyz[batch==i] = xyz[batch==i] @ T_i[:3,:3].T + T_i[:3,3].
    # Vectorized (identical math): gather R,p per point by segment id.
    trans_ = trans.reshape(-1, 4, 4)
    R = trans_[:, 0:3, 0:3]            # [B, 3, 3]
    p = trans_[:, 0:3, 3]              # [B, 3]
    Rg = jnp.take(R, batch, axis=0)    # [N, 3, 3] gather
    pg = jnp.take(p, batch, axis=0)    # [N, 3]  gather
    # xyz @ R.T  ==  einsum('nij,nj->ni', R, xyz)
    new_pos = jnp.einsum('nij,nj->ni', Rg, pos) + pg
    new_batch = batch  # num_multi == 1, so batch ids unchanged
    return (new_pos, new_batch)

if __name__ == "__main__":
    import jax
    _d = setup_inputs()
    print(jax.jit(kernel)(*tuple(_d.values())))

</pallas_src>

<mosaic_0001>
#map = affine_map<(d0, d1) -> (0)>
#map1 = affine_map<(d0, d1) -> (0, 0)>
module attributes {stable_mosaic.version = 14 : i64} {
  func.func @_se3_sc(%arg0: i32, %arg1: i32, %arg2: memref<256xf32, #tpu.memory_space<hbm>>, %arg3: memref<3x32768xf32, #tpu.memory_space<hbm>>, %arg4: memref<32768xi32, #tpu.memory_space<hbm>>, %arg5: memref<3x32768xf32, #tpu.memory_space<hbm>>, %arg6: memref<32768xi32, #tpu.memory_space<hbm>>, %arg7: memref<256xf32, #tpu.memory_space<vmem>>, %arg8: memref<3x2048xf32, #tpu.memory_space<vmem>>, %arg9: memref<2048xi32, #tpu.memory_space<vmem>>, %arg10: memref<3x2048xf32, #tpu.memory_space<vmem>>, %arg11: memref<16xf32, #tpu.memory_space<vmem>>, %arg12: memref<16xf32, #tpu.memory_space<vmem>>, %arg13: memref<16xf32, #tpu.memory_space<vmem>>, %arg14: memref<16xf32, #tpu.memory_space<vmem>>, %arg15: memref<16xf32, #tpu.memory_space<vmem>>, %arg16: memref<16xf32, #tpu.memory_space<vmem>>, %arg17: memref<16xf32, #tpu.memory_space<vmem>>, %arg18: memref<16xf32, #tpu.memory_space<vmem>>, %arg19: memref<16xf32, #tpu.memory_space<vmem>>, %arg20: memref<16xf32, #tpu.memory_space<vmem>>, %arg21: memref<16xf32, #tpu.memory_space<vmem>>, %arg22: memref<16xf32, #tpu.memory_space<vmem>>, %arg23: memref<!tpu.dma_semaphore, #tpu.memory_space<semaphore_mem>>, %arg24: memref<!tpu.dma_semaphore, #tpu.memory_space<semaphore_mem>>, %arg25: memref<!tpu.dma_semaphore, #tpu.memory_space<semaphore_mem>>) attributes {dimension_semantics = [#tpu.dimension_semantics<core_parallel>, #tpu.dimension_semantics<subcore_parallel>], iteration_bounds = array<i64: 1, 16>, scalar_prefetch = 0 : i64, scratch_operands = 19 : i64, tpu.core_type = #tpu.core_type<sc_vector_subcore>, window_params = [{transform_indices = #map}, {transform_indices = #map1}, {transform_indices = #map}, {transform_indices = #map1}, {transform_indices = #map}]} {
    %mul3A = arith.constant 2048 : i32
    %mul3A_0 = arith.muli %arg1, %mul3A : i32
    tpu.enqueue_dma source(%arg2 : memref<256xf32, #tpu.memory_space<hbm>>) target(%arg7 : memref<256xf32, #tpu.memory_space<vmem>>) target_semaphore(%arg23 : memref<!tpu.dma_semaphore, #tpu.memory_space<semaphore_mem>>)
    %dma_start3A = arith.constant 0 : i32
    %dma_start3A_1 = tpu.memref_slice %arg3[%dma_start3A, %mul3A_0] : memref<3x32768xf32, #tpu.memory_space<hbm>> -> memref<3x2048xf32, #tpu.memory_space<hbm>>
    %dma_start3A_2 = arith.constant 0 : i32
    %dma_start3A_3 = tpu.memref_slice %arg3[%dma_start3A_2, %mul3A_0] : memref<3x32768xf32, #tpu.memory_space<hbm>> -> memref<3x2048xf32, #tpu.memory_space<hbm>>
    tpu.enqueue_dma source(%dma_start3A_3 : memref<3x2048xf32, #tpu.memory_space<hbm>>) target(%arg8 : memref<3x2048xf32, #tpu.memory_space<vmem>>) target_semaphore(%arg24 : memref<!tpu.dma_semaphore, #tpu.memory_space<semaphore_mem>>)
    %dma_start3A_4 = tpu.memref_slice %arg4[%mul3A_0] : memref<32768xi32, #tpu.memory_space<hbm>> -> memref<2048xi32, #tpu.memory_space<hbm>>
    %dma_start3A_5 = tpu.memref_slice %arg4[%mul3A_0] : memref<32768xi32, #tpu.memory_space<hbm>> -> memref<2048xi32, #tpu.memory_space<hbm>>
    tpu.enqueue_dma source(%dma_start3A_5 : memref<2048xi32, #tpu.memory_space<hbm>>) target(%arg9 : memref<2048xi32, #tpu.memory_space<vmem>>) target_semaphore(%arg25 : memref<!tpu.dma_semaphore, #tpu.memory_space<semaphore_mem>>)
    tpu.wait_dma2 semaphore(%arg23 : memref<!tpu.dma_semaphore, #tpu.memory_space<semaphore_mem>>) src(%arg2 : memref<256xf32, #tpu.memory_space<hbm>>) dst(%arg7 : memref<256xf32, #tpu.memory_space<vmem>>)
    %iota3A = tpu.iota {dimensions = array<i32: 0>} : vector<16xi32>
    %add3A = arith.constant 0 : i32
    %add3A_6 = vector.broadcast %add3A : i32 to vector<16xi32>
    %add3A_7 = arith.addi %iota3A, %add3A_6 : vector<16xi32>
    %gather3A = tpu.vector_load_idx %arg7[%add3A_7] : memref<256xf32, #tpu.memory_space<vmem>>[vector<16xi32>], vector<16xf32>,
    %swap3A = arith.constant 0 : index
    %swap3A_8 = tpu.vector_load %arg11[%swap3A] {strides = array<i32>} : memref<16xf32, #tpu.memory_space<vmem>>, vector<16xf32>,
    tpu.vector_store %arg11[%swap3A], %gather3A {strides = array<i32>} : memref<16xf32, #tpu.memory_space<vmem>>, vector<16xf32>,
    %add3A_9 = arith.constant 16 : i32
    %add3A_10 = vector.broadcast %add3A_9 : i32 to vector<16xi32>
    %add3A_11 = arith.addi %iota3A, %add3A_10 : vector<16xi32>
    %gather3A_12 = tpu.vector_load_idx %arg7[%add3A_11] : memref<256xf32, #tpu.memory_space<vmem>>[vector<16xi32>], vector<16xf32>,
    %swap3A_13 = arith.constant 0 : index
    %swap3A_14 = tpu.vector_load %arg12[%swap3A_13] {strides = array<i32>} : memref<16xf32, #tpu.memory_space<vmem>>, vector<16xf32>,
    tpu.vector_store %arg12[%swap3A_13], %gather3A_12 {strides = array<i32>} : memref<16xf32, #tpu.memory_space<vmem>>, vector<16xf32>,
    %add3A_15 = arith.constant 32 : i32
    %add3A_16 = vector.broadcast %add3A_15 : i32 to vector<16xi32>
    %add3A_17 = arith.addi %iota3A, %add3A_16 : vector<16xi32>
    %gather3A_18 = tpu.vector_load_idx %arg7[%add3A_17] : memref<256xf32, #tpu.memory_space<vmem>>[vector<16xi32>], vector<16xf32>,
    %swap3A_19 = arith.constant 0 : index
    %swap3A_20 = tpu.vector_load %arg13[%swap3A_19] {strides = array<i32>} : memref<16xf32, #tpu.memory_space<vmem>>, vector<16xf32>,
    tpu.vector_store %arg13[%swap3A_19], %gather3A_18 {strides = array<i32>} : memref<16xf32, #tpu.memory_space<vmem>>, vector<16xf32>,
    %add3A_21 = arith.constant 48 : i32
    %add3A_22 = vector.broadcast %add3A_21 : i32 to vector<16xi32>
    %add3A_23 = arith.addi %iota3A, %add3A_22 : vector<16xi32>
    %gather3A_24 = tpu.vector_load_idx %arg7[%add3A_23] : memref<256xf32, #tpu.memory_space<vmem>>[vector<16xi32>], vector<16xf32>,
    %swap3A_25 = arith.constant 0 : index
    %swap3A_26 = tpu.vector_load %arg14[%swap3A_25] {strides = array<i32>} : memref<16xf32, #tpu.memory_space<vmem>>, vector<16xf32>,
    tpu.vector_store %arg14[%swap3A_25], %gather3A_24 {strides = array<i32>} : memref<16xf32, #tpu.memory_space<vmem>>, vector<16xf32>,
    %add3A_27 = arith.constant 64 : i32
    %add3A_28 = vector.broadcast %add3A_27 : i32 to vector<16xi32>
    %add3A_29 = arith.addi %iota3A, %add3A_28 : vector<16xi32>
    %gather3A_30 = tpu.vector_load_idx %arg7[%add3A_29] : memref<256xf32, #tpu.memory_space<vmem>>[vector<16xi32>], vector<16xf32>,
    %swap3A_31 = arith.constant 0 : index
    %swap3A_32 = tpu.vector_load %arg15[%swap3A_31] {strides = array<i32>} : memref<16xf32, #tpu.memory_space<vmem>>, vector<16xf32>,
    tpu.vector_store %arg15[%swap3A_31], %gather3A_30 {strides = array<i32>} : memref<16xf32, #tpu.memory_space<vmem>>, vector<16xf32>,
    %add3A_33 = arith.constant 80 : i32
    %add3A_34 = vector.broadcast %add3A_33 : i32 to vector<16xi32>
    %add3A_35 = arith.addi %iota3A, %add3A_34 : vector<16xi32>
    %gather3A_36 = tpu.vector_load_idx %arg7[%add3A_35] : memref<256xf32, #tpu.memory_space<vmem>>[vector<16xi32>], vector<16xf32>,
    %swap3A_37 = arith.constant 0 : index
    %swap3A_38 = tpu.vector_load %arg16[%swap3A_37] {strides = array<i32>} : memref<16xf32, #tpu.memory_space<vmem>>, vector<16xf32>,
    tpu.vector_store %arg16[%swap3A_37], %gather3A_36 {strides = array<i32>} : memref<16xf32, #tpu.memory_space<vmem>>, vector<16xf32>,
    %add3A_39 = arith.constant 96 : i32
    %add3A_40 = vector.broadcast %add3A_39 : i32 to vector<16xi32>
    %add3A_41 = arith.addi %iota3A, %add3A_40 : vector<16xi32>
    %gather3A_42 = tpu.vector_load_idx %arg7[%add3A_41] : memref<256xf32, #tpu.memory_space<vmem>>[vector<16xi32>], vector<16xf32>,
    %swap3A_43 = arith.constant 0 : index
    %swap3A_44 = tpu.vector_load %arg17[%swap3A_43] {strides = array<i32>} : memref<16xf32, #tpu.memory_space<vmem>>, vector<16xf32>,
    tpu.vector_store %arg17[%swap3A_43], %gather3A_42 {strides = array<i32>} : memref<16xf32, #tpu.memory_space<vmem>>, vector<16xf32>,
    %add3A_45 = arith.constant 112 : i32
    %add3A_46 = vector.broadcast %add3A_45 : i32 to vector<16xi32>
    %add3A_47 = arith.addi %iota3A, %add3A_46 : vector<16xi32>
    %gather3A_48 = tpu.vector_load_idx %arg7[%add3A_47] : memref<256xf32, #tpu.memory_space<vmem>>[vector<16xi32>], vector<16xf32>,
    %swap3A_49 = arith.constant 0 : index
    %swap3A_50 = tpu.vector_load %arg18[%swap3A_49] {strides = array<i32>} : memref<16xf32, #tpu.memory_space<vmem>>, vector<16xf32>,
    tpu.vector_store %arg18[%swap3A_49], %gather3A_48 {strides = array<i32>} : memref<16xf32, #tpu.memory_space<vmem>>, vector<16xf32>,
    %add3A_51 = arith.constant 128 : i32
    %add3A_52 = vector.broadcast %add3A_51 : i32 to vector<16xi32>
    %add3A_53 = arith.addi %iota3A, %add3A_52 : vector<16xi32>
    %gather3A_54 = tpu.vector_load_idx %arg7[%add3A_53] : memref<256xf32, #tpu.memory_space<vmem>>[vector<16xi32>], vector<16xf32>,
    %swap3A_55 = arith.constant 0 : index
    %swap3A_56 = tpu.vector_load %arg19[%swap3A_55] {strides = array<i32>} : memref<16xf32, #tpu.memory_space<vmem>>, vector<16xf32>,
    tpu.vector_store %arg19[%swap3A_55], %gather3A_54 {strides = array<i32>} : memref<16xf32, #tpu.memory_space<vmem>>, vector<16xf32>,
    %add3A_57 = arith.constant 144 : i32
    %add3A_58 = vector.broadcast %add3A_57 : i32 to vector<16xi32>
    %add3A_59 = arith.addi %iota3A, %add3A_58 : vector<16xi32>
    %gather3A_60 = tpu.vector_load_idx %arg7[%add3A_59] : memref<256xf32, #tpu.memory_space<vmem>>[vector<16xi32>], vector<16xf32>,
    %swap3A_61 = arith.constant 0 : index
    %swap3A_62 = tpu.vector_load %arg20[%swap3A_61] {strides = array<i32>} : memref<16xf32, #tpu.memory_space<vmem>>, vector<16xf32>,
    tpu.vector_store %arg20[%swap3A_61], %gather3A_60 {strides = array<i32>} : memref<16xf32, #tpu.memory_space<vmem>>, vector<16xf32>,
    %add3A_63 = arith.constant 160 : i32
    %add3A_64 = vector.broadcast %add3A_63 : i32 to vector<16xi32>
    %add3A_65 = arith.addi %iota3A, %add3A_64 : vector<16xi32>
    %gather3A_66 = tpu.vector_load_idx %arg7[%add3A_65] : memref<256xf32, #tpu.memory_space<vmem>>[vector<16xi32>], vector<16xf32>,
    %swap3A_67 = arith.constant 0 : index
    %swap3A_68 = tpu.vector_load %arg21[%swap3A_67] {strides = array<i32>} : memref<16xf32, #tpu.memory_space<vmem>>, vector<16xf32>,
    tpu.vector_store %arg21[%swap3A_67], %gather3A_66 {strides = array<i32>} : memref<16xf32, #tpu.memory_space<vmem>>, vector<16xf32>,
    %add3A_69 = arith.constant 176 : i32
    %add3A_70 = vector.broadcast %add3A_69 : i32 to vector<16xi32>
    %add3A_71 = arith.addi %iota3A, %add3A_70 : vector<16xi32>
    %gather3A_72 = tpu.vector_load_idx %arg7[%add3A_71] : memref<256xf32, #tpu.memory_space<vmem>>[vector<16xi32>], vector<16xf32>,
    %swap3A_73 = arith.constant 0 : index
    %swap3A_74 = tpu.vector_load %arg22[%swap3A_73] {strides = array<i32>} : memref<16xf32, #tpu.memory_space<vmem>>, vector<16xf32>,
    tpu.vector_store %arg22[%swap3A_73], %gather3A_72 {strides = array<i32>} : memref<16xf32, #tpu.memory_space<vmem>>, vector<16xf32>,
    %dma_wait3A = tpu.memref_slice %arg4[%mul3A_0] : memref<32768xi32, #tpu.memory_space<hbm>> -> memref<2048xi32, #tpu.memory_space<hbm>>
    %dma_wait3A_75 = tpu.memref_slice %arg4[%mul3A_0] : memref<32768xi32, #tpu.memory_space<hbm>> -> memref<2048xi32, #tpu.memory_space<hbm>>
    tpu.wait_dma2 semaphore(%arg25 : memref<!tpu.dma_semaphore, #tpu.memory_space<semaphore_mem>>) src(%dma_wait3A_75 : memref<2048xi32, #tpu.memory_space<hbm>>) dst(%arg9 : memref<2048xi32, #tpu.memory_space<vmem>>)
    %dma_start3A_76 = tpu.memref_slice %arg6[%mul3A_0] : memref<32768xi32, #tpu.memory_space<hbm>> -> memref<2048xi32, #tpu.memory_space<hbm>>
    %dma_start3A_77 = tpu.memref_slice %arg6[%mul3A_0] : memref<32768xi32, #tpu.memory_space<hbm>> -> memref<2048xi32, #tpu.memory_space<hbm>>
    tpu.enqueue_dma source(%arg9 : memref<2048xi32, #tpu.memory_space<vmem>>) target(%dma_start3A_77 : memref<2048xi32, #tpu.memory_space<hbm>>) target_semaphore(%arg25 : memref<!tpu.dma_semaphore, #tpu.memory_space<semaphore_mem>>)
    %dma_wait3A_78 = arith.constant 0 : i32
    %dma_wait3A_79 = tpu.memref_slice %arg3[%dma_wait3A_78, %mul3A_0] : memref<3x32768xf32, #tpu.memory_space<hbm>> -> memref<3x2048xf32, #tpu.memory_space<hbm>>
    %dma_wait3A_80 = arith.constant 0 : i32
    %dma_wait3A_81 = tpu.memref_slice %arg3[%dma_wait3A_80, %mul3A_0] : memref<3x32768xf32, #tpu.memory_space<hbm>> -> memref<3x2048xf32, #tpu.memory_space<hbm>>
    tpu.wait_dma2 semaphore(%arg24 : memref<!tpu.dma_semaphore, #tpu.memory_space<semaphore_mem>>) src(%dma_wait3A_81 : memref<3x2048xf32, #tpu.memory_space<hbm>>) dst(%arg8 : memref<3x2048xf32, #tpu.memory_space<vmem>>)
    %parallel_loop3A = arith.constant 0 : i32
    %parallel_loop3A_82 = arith.constant 128 : i32
    %parallel_loop3A_83 = arith.constant 1 : i32
    scf.for %parallel_loop3A_94 = %parallel_loop3A to %parallel_loop3A_82 step %parallel_loop3A_83  : i32 {
      %parallel_loop3A_95 = arith.constant 16 : i32
      %parallel_loop3A_96 = arith.muli %parallel_loop3A_94, %parallel_loop3A_95 : i32
      %parallel_loop3A_97 = arith.index_cast %parallel_loop3A_96 : i32 to index
      %parallel_loop3A_98 = tpu.vector_load %arg9[%parallel_loop3A_97] {strides = array<i32>} : memref<2048xi32, #tpu.memory_space<vmem>>, vector<16xi32>,
      %parallel_loop3A_99 = tpu.vector_load_idx %arg11[%parallel_loop3A_98] : memref<16xf32, #tpu.memory_space<vmem>>[vector<16xi32>], vector<16xf32>,
      %parallel_loop3A_100 = tpu.vector_load_idx %arg12[%parallel_loop3A_98] : memref<16xf32, #tpu.memory_space<vmem>>[vector<16xi32>], vector<16xf32>,
      %parallel_loop3A_101 = tpu.vector_load_idx %arg13[%parallel_loop3A_98] : memref<16xf32, #tpu.memory_space<vmem>>[vector<16xi32>], vector<16xf32>,
      %parallel_loop3A_102 = tpu.vector_load_idx %arg14[%parallel_loop3A_98] : memref<16xf32, #tpu.memory_space<vmem>>[vector<16xi32>], vector<16xf32>,
      %parallel_loop3A_103 = tpu.vector_load_idx %arg15[%parallel_loop3A_98] : memref<16xf32, #tpu.memory_space<vmem>>[vector<16xi32>], vector<16xf32>,
      %parallel_loop3A_104 = tpu.vector_load_idx %arg16[%parallel_loop3A_98] : memref<16xf32, #tpu.memory_space<vmem>>[vector<16xi32>], vector<16xf32>,
      %parallel_loop3A_105 = tpu.vector_load_idx %arg17[%parallel_loop3A_98] : memref<16xf32, #tpu.memory_space<vmem>>[vector<16xi32>], vector<16xf32>,
      %parallel_loop3A_106 = tpu.vector_load_idx %arg18[%parallel_loop3A_98] : memref<16xf32, #tpu.memory_space<vmem>>[vector<16xi32>], vector<16xf32>,
      %parallel_loop3A_107 = tpu.vector_load_idx %arg19[%parallel_loop3A_98] : memref<16xf32, #tpu.memory_space<vmem>>[vector<16xi32>], vector<16xf32>,
      %parallel_loop3A_108 = tpu.vector_load_idx %arg20[%parallel_loop3A_98] : memref<16xf32, #tpu.memory_space<vmem>>[vector<16xi32>], vector<16xf32>,
      %parallel_loop3A_109 = tpu.vector_load_idx %arg21[%parallel_loop3A_98] : memref<16xf32, #tpu.memory_space<vmem>>[vector<16xi32>], vector<16xf32>,
      %parallel_loop3A_110 = tpu.vector_load_idx %arg22[%parallel_loop3A_98] : memref<16xf32, #tpu.memory_space<vmem>>[vector<16xi32>], vector<16xf32>,
      %parallel_loop3A_111 = arith.constant 0 : i32
      %parallel_loop3A_112 = arith.index_cast %parallel_loop3A_111 : i32 to index
      %parallel_loop3A_113 = arith.index_cast %parallel_loop3A_96 : i32 to index
      %parallel_loop3A_114 = tpu.vector_load %arg8[%parallel_loop3A_112, %parallel_loop3A_113] {strides = array<i32>} : memref<3x2048xf32, #tpu.memory_space<vmem>>, vector<16xf32>,
      %parallel_loop3A_115 = arith.constant 1 : i32
      %parallel_loop3A_116 = arith.index_cast %parallel_loop3A_115 : i32 to index
      %parallel_loop3A_117 = arith.index_cast %parallel_loop3A_96 : i32 to index
      %parallel_loop3A_118 = tpu.vector_load %arg8[%parallel_loop3A_116, %parallel_loop3A_117] {strides = array<i32>} : memref<3x2048xf32, #tpu.memory_space<vmem>>, vector<16xf32>,
      %parallel_loop3A_119 = arith.constant 2 : i32
      %parallel_loop3A_120 = arith.index_cast %parallel_loop3A_119 : i32 to index
      %parallel_loop3A_121 = arith.index_cast %parallel_loop3A_96 : i32 to index
      %parallel_loop3A_122 = tpu.vector_load %arg8[%parallel_loop3A_120, %parallel_loop3A_121] {strides = array<i32>} : memref<3x2048xf32, #tpu.memory_space<vmem>>, vector<16xf32>,
      %parallel_loop3A_123 = arith.mulf %parallel_loop3A_99, %parallel_loop3A_114 : vector<16xf32>
      %parallel_loop3A_124 = arith.mulf %parallel_loop3A_100, %parallel_loop3A_118 : vector<16xf32>
      %parallel_loop3A_125 = arith.addf %parallel_loop3A_123, %parallel_loop3A_124 : vector<16xf32>
      %parallel_loop3A_126 = arith.mulf %parallel_loop3A_101, %parallel_loop3A_122 : vector<16xf32>
      %parallel_loop3A_127 = arith.addf %parallel_loop3A_125, %parallel_loop3A_126 : vector<16xf32>
      %parallel_loop3A_128 = arith.addf %parallel_loop3A_127, %parallel_loop3A_102 : vector<16xf32>
      %parallel_loop3A_129 = arith.constant 0 : i32
      %parallel_loop3A_130 = arith.index_cast %parallel_loop3A_129 : i32 to index
      %parallel_loop3A_131 = arith.index_cast %parallel_loop3A_96 : i32 to index
      %parallel_loop3A_132 = tpu.vector_load %arg10[%parallel_loop3A_130, %parallel_loop3A_131] {strides = array<i32>} : memref<3x2048xf32, #tpu.memory_space<vmem>>, vector<16xf32>,
      tpu.vector_store %arg10[%parallel_loop3A_130, %parallel_loop3A_131], %parallel_loop3A_128 {strides = array<i32>} : memref<3x2048xf32, #tpu.memory_space<vmem>>, vector<16xf32>,
      %parallel_loop3A_133 = arith.mulf %parallel_loop3A_103, %parallel_loop3A_114 : vector<16xf32>
      %parallel_loop3A_134 = arith.mulf %parallel_loop3A_104, %parallel_loop3A_118 : vector<16xf32>
      %parallel_loop3A_135 = arith.addf %parallel_loop3A_133, %parallel_loop3A_134 : vector<16xf32>
      %parallel_loop3A_136 = arith.mulf %parallel_loop3A_105, %parallel_loop3A_122 : vector<16xf32>
      %parallel_loop3A_137 = arith.addf %parallel_loop3A_135, %parallel_loop3A_136 : vector<16xf32>
      %parallel_loop3A_138 = arith.addf %parallel_loop3A_137, %parallel_loop3A_106 : vector<16xf32>
      %parallel_loop3A_139 = arith.constant 1 : i32
      %parallel_loop3A_140 = arith.index_cast %parallel_loop3A_139 : i32 to index
      %parallel_loop3A_141 = arith.index_cast %parallel_loop3A_96 : i32 to index
      %parallel_loop3A_142 = tpu.vector_load %arg10[%parallel_loop3A_140, %parallel_loop3A_141] {strides = array<i32>} : memref<3x2048xf32, #tpu.memory_space<vmem>>, vector<16xf32>,
      tpu.vector_store %arg10[%parallel_loop3A_140, %parallel_loop3A_141], %parallel_loop3A_138 {strides = array<i32>} : memref<3x2048xf32, #tpu.memory_space<vmem>>, vector<16xf32>,
      %parallel_loop3A_143 = arith.mulf %parallel_loop3A_107, %parallel_loop3A_114 : vector<16xf32>
      %parallel_loop3A_144 = arith.mulf %parallel_loop3A_108, %parallel_loop3A_118 : vector<16xf32>
      %parallel_loop3A_145 = arith.addf %parallel_loop3A_143, %parallel_loop3A_144 : vector<16xf32>
      %parallel_loop3A_146 = arith.mulf %parallel_loop3A_109, %parallel_loop3A_122 : vector<16xf32>
      %parallel_loop3A_147 = arith.addf %parallel_loop3A_145, %parallel_loop3A_146 : vector<16xf32>
      %parallel_loop3A_148 = arith.addf %parallel_loop3A_147, %parallel_loop3A_110 : vector<16xf32>
      %parallel_loop3A_149 = arith.constant 2 : i32
      %parallel_loop3A_150 = arith.index_cast %parallel_loop3A_149 : i32 to index
      %parallel_loop3A_151 = arith.index_cast %parallel_loop3A_96 : i32 to index
      %parallel_loop3A_152 = tpu.vector_load %arg10[%parallel_loop3A_150, %parallel_loop3A_151] {strides = array<i32>} : memref<3x2048xf32, #tpu.memory_space<vmem>>, vector<16xf32>,
      tpu.vector_store %arg10[%parallel_loop3A_150, %parallel_loop3A_151], %parallel_loop3A_148 {strides = array<i32>} : memref<3x2048xf32, #tpu.memory_space<vmem>>, vector<16xf32>,
    } {sc.loop_unroll_factor = 2 : i64, sc.parallel_access}
    %dma_start3A_84 = arith.constant 0 : i32
    %dma_start3A_85 = tpu.memref_slice %arg5[%dma_start3A_84, %mul3A_0] : memref<3x32768xf32, #tpu.memory_space<hbm>> -> memref<3x2048xf32, #tpu.memory_space<hbm>>
    %dma_start3A_86 = arith.constant 0 : i32
    %dma_start3A_87 = tpu.memref_slice %arg5[%dma_start3A_86, %mul3A_0] : memref<3x32768xf32, #tpu.memory_space<hbm>> -> memref<3x2048xf32, #tpu.memory_space<hbm>>
    tpu.enqueue_dma source(%arg10 : memref<3x2048xf32, #tpu.memory_space<vmem>>) target(%dma_start3A_87 : memref<3x2048xf32, #tpu.memory_space<hbm>>) target_semaphore(%arg24 : memref<!tpu.dma_semaphore, #tpu.memory_space<semaphore_mem>>)
    %dma_wait3A_88 = arith.constant 0 : i32
    %dma_wait3A_89 = tpu.memref_slice %arg5[%dma_wait3A_88, %mul3A_0] : memref<3x32768xf32, #tpu.memory_space<hbm>> -> memref<3x2048xf32, #tpu.memory_space<hbm>>
    %dma_wait3A_90 = arith.constant 0 : i32
    %dma_wait3A_91 = tpu.memref_slice %arg5[%dma_wait3A_90, %mul3A_0] : memref<3x32768xf32, #tpu.memory_space<hbm>> -> memref<3x2048xf32, #tpu.memory_space<hbm>>
    tpu.wait_dma2 semaphore(%arg24 : memref<!tpu.dma_semaphore, #tpu.memory_space<semaphore_mem>>) src(%arg10 : memref<3x2048xf32, #tpu.memory_space<vmem>>) dst(%dma_wait3A_91 : memref<3x2048xf32, #tpu.memory_space<hbm>>)
    %dma_wait3A_92 = tpu.memref_slice %arg6[%mul3A_0] : memref<32768xi32, #tpu.memory_space<hbm>> -> memref<2048xi32, #tpu.memory_space<hbm>>
    %dma_wait3A_93 = tpu.memref_slice %arg6[%mul3A_0] : memref<32768xi32, #tpu.memory_space<hbm>> -> memref<2048xi32, #tpu.memory_space<hbm>>
    tpu.wait_dma2 semaphore(%arg25 : memref<!tpu.dma_semaphore, #tpu.memory_space<semaphore_mem>>) src(%arg9 : memref<2048xi32, #tpu.memory_space<vmem>>) dst(%dma_wait3A_93 : memref<2048xi32, #tpu.memory_space<hbm>>)
    return
  }
}

</mosaic_0001>

<sc_bundles>
// kernel: kernel.3.cloned.1.call-start
scs
__scs_entry_jumppad:
0x0: {  	(pc) =	sbr.rel $0x88, $3  }
0x1: {  	(tag) =	ssettag $0x0;
	lr =	simm.s32 $0x1  }
0x2: {  	[smem:$0x3F9E] =	sst lr;
	_ =	strace $0xD0000000  }
0x3: {  	_ = 	snop  }
0x4: {  	_ = 	snop  }
0x5: {  	_ = 	snop  }
0x6: {  	_ = 	snop  }
0x7: {  	_ = 	snop  }
__scs_overlays_trampoline_lowered:
0x8: {  	[smem:$0x3FAD] =	sst s0  }
0x9: {  	[smem:$0x3FAE] =	sst s1  }
0xa: {  	[smem:$0x3FAF] =	sst s2  }
0xb: {  	[smem:$0x3FB0] =	sst s3  }
0xc: {  	[smem:$0x3FB1] =	sst s4  }
0xd: {  	[smem:$0x3FB2] =	sst s5  }
0xe: {  	[smem:$0x3FB3] =	sst s6  }
0xf: {  	[smem:$0x3FB4] =	sst s7  }
0x10: {  	[smem:$0x3FB5] =	sst s8  }
0x11: {  	[smem:$0x3FB6] =	sst s9;
	s0 =	simm.s32 @!p0 $0x0  }
0x12: {  	s1 =	sld [smem:$0x3F9C];
	s0 =	simm.s32 @p0 $0x1  }
0x13: {  	[smem:$0x3FB7] =	sst s0;
	s0 =	simm.s32 @!p1 $0x0  }
0x14: {  	s2 =	sld [smem:$0x3F9B];
	s0 =	simm.s32 @p1 $0x1  }
0x15: {  	[smem:$0x3FB8] =	sst s0;
	s0 =	simm.s32 @!p2 $0x0  }
0x16: {  	s3 =	sld [smem:$0x3FDB];
	s0 =	simm.s32 @p2 $0x1  }
0x17: {  	s4 =	simm.s32 $0x1BF5;
	[smem:$0x3FBA] =	sst s0  }
0x18: {  	s0 =	sld [smem:$0x3F9D];
	_ =	swait.ge [sflag:s4], $0x0  }
0x19: {  	s7 =	sld [smem:$0x3F9E]  }
0x1a: {  	s8 =	sadd.s32 $0xFFFFE003, lr  }
0x1b: {  	s9 =	sadd.s32 $0xFFFFFEF7, lr;
	s5 =	simm.s32 $0xFFFFFFFF;
	p2 =	slt.u32 s8, $0xFFFFF086  }
0x1c: {  	p1 =	slt.u32 s9, $0xF7A;
	s5 =	simm.s32 @!p2 $0x0  }
0x1d: {  	s5 =	simm.s32 @p1 $0x1;
	p0 =	seq.s32 s7, s2  }
0x1e: {  	s7 =	smul.u32 @!p0 $0xF7A, s2;
	p2 =	seq.s32 @!p0 s5, $0x0  }
0x1f: {  	s9 =	smul.u32 $0xF7A, s1;
	s8 =	simm.s32 @!p0 $0x1BF5;
	p2 =	por !p2, p0  }
0x20: {  	[sflag:s8] =	ssyncset.s32 @!p0 $0xFFFFF086;
	s6 =	sadd.s32 @!p0 s3, s7;
	s7 =	simm.s32 @!p0 $0x108  }
0x21: {  	s3 =	sadd.s32 s3, s9;
	s6 =	sadd.s32 @!p0 $0x88, s6;
	s7 =	simm.s32 @p2 $0x1082  }
0x22: {  	[simem:s7], [sflag:s8] =	dma.local @!p0 [hbm:s6], $0xF7A  }
0x23: {  	s9 =	sor.u32 $0xD0000000, s2;
	s6 =	simm.s32 $0x108;
	_ =	swait.ge @!p0 [sflag:s8], $0x0  }
0x24: {  	s3 =	sadd.s32 $0x88, s3;
	s6 =	simm.s32 @!p1 $0x1082;
	[sflag:s4] =	ssyncset.s32 $0xFFFFF086  }
0x25: {  	[simem:s6], [sflag:s4] =	dma.local [hbm:s3], $0xF7A  }
0x26: {  	[smem:$0x3F9E] =	sst s1;
	(tag) =	ssettag s2;
	_ =	strace s9  }
0x27: {  	s1 =	sld [smem:$0x3FAE]  }
0x28: {  	s2 =	sld [smem:$0x3FAF]  }
0x29: {  	s4 =	sld [smem:$0x3FB1]  }
0x2a: {  	p0 =	seq.s32 s5, $0x0;
	s5 =	sld [smem:$0x3FB2]  }
0x2b: {  	s6 =	sld [smem:$0x3FB3]  }
0x2c: {  	s7 =	sld [smem:$0x3FB4]  }
0x2d: {  	s3 =	simm.s32 $0x108;
	s8 =	sld [smem:$0x3FB5]  }
0x2e: {  	s3 =	simm.s32 @!p0 $0x1082;
	s9 =	sld [smem:$0x3FB6]  }
0x2f: {  	lr =	sadd.s32 s0, s3;
	s0 =	sld [smem:$0x3FAD]  }
0x30: {  	s3 =	sld [smem:$0x3FB0]  }
0x31: {  	[smem:$0x3FB9] =	sst s10  }
0x32: {  	s10 =	sld [smem:$0x3FB7];
	_ =	sdelay $0x3  }
0x33: {  	p0 =	seq.s32 s10, $0x1;
	s10 =	sld [smem:$0x3FB9];
	_ =	sdelay $0x3  }
0x34: {  	[smem:$0x3FB9] =	sst s10  }
0x35: {  	s10 =	sld [smem:$0x3FB8];
	_ =	sdelay $0x3  }
0x36: {  	p1 =	seq.s32 s10, $0x1;
	s10 =	sld [smem:$0x3FB9];
	_ =	sdelay $0x3  }
0x37: {  	[smem:$0x3FB9] =	sst s10  }
0x38: {  	s10 =	sld [smem:$0x3FBA]  }
0x39: {  	_ = 	snop;
	(pc) =	sbr.ind lr, $3  }
0x3a: {  	_ = 	snop  }
0x3b: {  	_ = 	snop  }
0x3c: {  	p2 =	seq.s32 s10, $0x1;
	s10 =	sld [smem:$0x3FB9]  }
0x3d: {  	_ =	shalt  }
0x3e: {  	_ =	shalt  }
0x3f: {  	_ =	shalt  }
0x40: {  	_ =	shalt  }
0x41: {  	_ =	shalt  }
0x42: {  	_ =	shalt  }
0x43: {  	_ =	shalt  }
0x44: {  	_ =	shalt  }
0x45: {  	_ =	shalt  }
0x46: {  	_ =	shalt  }
0x47: {  	_ =	shalt  }
0x48: {  	_ =	shalt  }
0x49: {  	_ =	shalt  }
0x4a: {  	_ =	shalt  }
0x4b: {  	_ =	shalt  }
0x4c: {  	_ =	shalt  }
0x4d: {  	_ =	shalt  }
0x4e: {  	_ =	shalt  }
0x4f: {  	_ =	shalt  }
0x50: {  	_ =	shalt  }
0x51: {  	_ =	shalt  }
0x52: {  	_ =	shalt  }
0x53: {  	_ =	shalt  }
0x54: {  	_ =	shalt  }
0x55: {  	_ =	shalt  }
0x56: {  	_ =	shalt  }
0x57: {  	_ =	shalt  }
0x58: {  	_ =	shalt  }
0x59: {  	_ =	shalt  }
0x5a: {  	_ =	shalt  }
0x5b: {  	_ =	shalt  }
0x5c: {  	_ =	shalt  }
0x5d: {  	_ =	shalt  }
0x5e: {  	_ =	shalt  }
0x5f: {  	_ =	shalt  }
0x60: {  	_ =	shalt  }
0x61: {  	_ =	shalt  }
0x62: {  	_ =	shalt  }
0x63: {  	_ =	shalt  }
0x64: {  	_ =	shalt  }
0x65: {  	_ =	shalt  }
0x66: {  	_ =	shalt  }
0x67: {  	_ =	shalt  }
0x68: {  	_ =	shalt  }
0x69: {  	_ =	shalt  }
0x6a: {  	_ =	shalt  }
0x6b: {  	_ =	shalt  }
0x6c: {  	_ =	shalt  }
0x6d: {  	_ =	shalt  }
0x6e: {  	_ =	shalt  }
0x6f: {  	_ =	shalt  }
0x70: {  	_ =	shalt  }
0x71: {  	_ =	shalt  }
0x72: {  	_ =	shalt  }
0x73: {  	_ =	shalt  }
0x74: {  	_ =	shalt  }
0x75: {  	_ =	shalt  }
0x76: {  	_ =	shalt  }
0x77: {  	_ =	shalt  }
0x78: {  	_ =	shalt  }
0x79: {  	_ =	shalt  }
0x7a: {  	_ =	shalt  }
0x7b: {  	_ =	shalt  }
0x7c: {  	_ =	shalt  }
0x7d: {  	_ =	shalt  }
0x7e: {  	_ =	shalt  }
0x7f: {  	_ =	shalt  }
0x80: {  	_ =	shalt  }
0x81: {  	_ =	shalt  }
0x82: {  	_ =	shalt  }
0x83: {  	_ =	shalt  }
0x84: {  	_ =	shalt  }
0x85: {  	_ =	shalt  }
0x86: {  	_ =	shalt  }
0x87: {  	_ =	shalt  }
.Lfunc_end0:
.L_simem_size_0:
called_computation_lowered:
.L_overlay_start_0:
0x88: {  	s0 =	sld [smem:$0x3FD9]  }
0x89: {  	s1 =	sld [smem:$0x3FFE];
	_ =	sdelay $0x3  }
0x8a: {  	s0 =	sadd.s32 s1, s0  }
0x8b: {  	[smem:$0x3FC5] =	sst s0  }
0x8c: {  	_ = 	snop  }
0x8d: {  	s0 =	sld [smem:$0x3FD0];
	_ =	sdelay $0x2  }
0x8e: {  	s2 =	simm.s32 $0xA;
	s3 =	simm.s32 $0x10;
	s13 =	sld [smem:$0x3FC7]  }
0x8f: {  	[smem:s3], [sflag:s2] =	dma.local [hbm:s0], $0x1  }
0x90: {  	_ =	swait.eq [sflag:s2], $0x1  }
0x91: {  	[sflag:s2] =	ssyncset.done $0x0  }
0x92: {  	s14 =	sld [smem:$0x10];
	[sflag:s2] =	ssyncadd.s32 $0xFFFFFFFF  }
0x93: {  	s15 =	sld [smem:$0x11];
	(tm) =	ssettm $0x1  }
0x94: {  	s16 =	sld [smem:$0x3FFB];
	_ =	sdelay $0x3  }
0x95: {  	_ =	strace s16  }
0x96: {  	s3 =	sld [smem:$0x3FFC];
	_ =	sdelay $0x3  }
0x97: {  	_ =	strace s3  }
0x98: {  	s3 =	sld [smem:$0x3FFD];
	_ =	sdelay $0x3  }
0x99: {  	_ =	strace s3  }
0x9a: {  	_ =	strace $0x8FFFFFFF  }
0x9b: {  	s17 =	sld [smem:$0x3FDB];
	_ =	sdelay $0x1  }
0x9c: {  	s4 =	simm.s32 $_scs_section_size  }
0x9d: {  	s5 =	simm.s32 $_size__tile_overlayer_lowered;
	s6 =	simm.s32 $_tile_overlayer_lowered  }
0x9e: {  	s20 =	simm.s32 $0x1BFF;
	s19 =	sshll.u32 s6, $0x1;
	s3 =	sadd.s32 s4, s17  }
0x9f: {  	s7 =	simm.s32 $0x0;
	s18 =	sshll.u32 s5, $0x1;
	s5 =	sadd.s32 s19, s3  }
0xa0: {  	[timem:s7], [sflag:s20] =	dma.local [hbm:s5], s18  }
0xa1: {  	_ =	swait.ge [sflag:s20], s18  }
0xa2: {  	s4 =	ssub.s32 $0x0, s18;
	[sflag:s20] =	ssyncset.done $0x0  }
0xa3: {  	[sflag:s20] =	ssyncadd.s32 s4;
	_ =	sdelay $0x1  }
0xa4: {  	s21 =	simm.s32 $0x1B8B  }
0xa5: {  	_ =	swait.ge [sflag:s21], $0x1  }
0xa6: {  	[sflag:s21] =	ssyncset.done $0x0  }
0xa7: {  	s23 =	simm.s32 $0x1B8E;
	s22 =	sld [smem:$0x3FFE];
	[sflag:s21] =	ssyncadd.s32 $0xFFFFFFFF  }
0xa8: {  	s24 =	simm.s32 $execute0_lowered;
	[smem:$0x3FD2] =	sst s23  }
0xa9: {  	s5 =	sshll.u32 s24, $0x1;
	_ =	strace $0x80000046;
	[dreg:$0x1] =	wrdreg $0xFFFFFFFF  }
0xaa: {  	s25 =	simm.s32 $_size_execute0_lowered;
	s3 =	sadd.s32 s3, s5;
	[dreg:$0x0] =	wrdreg $0x0  }
0xab: {  	s5 =	sshll.u32 s25, $0x1;
	[dreg:$0x2] =	wrdreg s3  }
0xac: {  	[dreg:$0x3] =	wrdreg s5  }
0xad: {  	[dreg:$0x4] =	wrdreg $0xC0  }
0xae: {  	_ =	task [dreg:s7], $0x5FFFF  }
0xaf: {  	[dreg:$0x1] =	wrdreg $0xFFFFFFFF  }
0xb0: {  	[dreg:$0x0] =	wrdreg $0x60  }
0xb1: {  	[dreg:$0x2] =	wrdreg s22  }
0xb2: {  	[dreg:$0x3] =	wrdreg s14  }
0xb3: {  	[dreg:$0x4] =	wrdreg s13  }
0xb4: {  	[dreg:$0x5] =	wrdreg s15  }
0xb5: {  	[dreg:$0x6] =	wrdreg $0x9  }
0xb6: {  	_ =	task.clear_ibuf [dreg:s7], $0x7FFFF;
	_ =	strace $0x90000046  }
0xb7: {  	s26 =	simm.s32 $0x9;
	_ =	strace $0x80000048  }
0xb8: {  	_ =	swait.ge [sflag:s26], $0x1  }
0xb9: {  	[sflag:s26] =	ssyncadd.s32 $0xFFFFFFFF  }
0xba: {  	_ =	strace $0x90000048  }
0xbb: {  	_ =	sfence  }
0xbc: {  	s28 =	sld [smem:$0x0];
	_ =	sdelay $0x1  }
0xbd: {  	s29 =	srdreg.scid  }
0xbe: {  	s30 =	sshll.u32 s29, $0xD;
	s31 =	sshrl.u32 s29, $0x2  }
0xbf: {  	s1 =	sand.u32 $0x1, s29;
	s2 =	sand.u32 $0x4000, s30;
	s0 =	sadd.s32 s31, s28  }
0xc0: {  	s1 =	sor.u32 s2, s1;
	s0 =	sshll.u32 s0, $0x11  }
0xc1: {  	s0 =	sor.u32 s0, s1  }
0xc2: {  	s0 =	sadd.s32 $0x8F2B, s0  }
0xc3: {  	[sflag:s0] =	ssyncadd.remote.s32 $0x1  }
0xc4: {  	_ =	sfence.sel $0xFFFF  }
0xc5: {  	[dreg:$0x0] =	wrdreg $0xFFFFFFFF;
	(pc) =	sbr.abs _section_cstart, $3  }
0xc6: {  	[dreg:$0x1] =	wrdreg $0xFFFFFFFF  }
0xc7: {  	_ =	task.clear_ibuf [dreg:s7], $0x2FFFF;
	_ =	strace $0x9FFFFFFF  }
0xc8: {  	(tm) =	ssettm $0x7FFFFFFF  }
0xc9: {  	_ =	shalt  }
tec
execute0_lowered:
.L_overlay_start_1:
0x0: {  	(tag) =	ssettag $0x1  }
0x1: {  	s14 =	rddreg [dreg:$0x0]  }
0x2: {  	s3 =	rddreg [dreg:$0x1]  }
0x3: {  	s4 =	rddreg [dreg:$0x2]  }
0x4: {  	s5 =	rddreg [dreg:$0x3]  }
0x5: {  	s0 =	rddreg [dreg:$0x4];
	s6 =	simm.s32 $0x0  }
0x6: {  	s1 =	stileid.u32;
	s24 =	simm.s32 $0x800;
	[smem:$0x7FF] =	sst s6  }
0x7: {  	s2 =	sshll.u32 s1, $0x8;
	s7 =	sadd.s32 $0x800, s14;
	_ =	strace $0x80000047  }
0x8: {  	[tilespmem:s6], [sflag:$0x1] =	stream.linear.gather [hbm4b:s7+s6], $0x100, $0x38;
	[tilespmem:$0x39C0] =	vst v63  }
0x9: {  	s8 =	simm.s32 $0x8000;
	s9 =	simm.s32 $0x100;
	s3 =	sadd.s32 s3, s2  }
0xa: {  	[tilespmem:s9], [sflag:$0x2] =	stream.strided.gather [hbm4b:s3+s24], $0x1800, s8, s24, $0x38;
	[tilespmem:$0x39C0] =	vst v63  }
0xb: {  	s26 =	simm.s32 $0x1900;
	v0 =	vlaneseq.u32;
	s28 =	simm.s32 $0x1;
	s25 =	sadd.s32 s4, s2  }
0xc: {  	[tilespmem:s26], [sflag:$0x3] =	stream.linear.gather [hbm4b:s25+s6], $0x800, $0x38;
	[tilespmem:$0x39C0] =	vst v63  }
0xd: {  	_ =	swait.ge [sflag:s28], $0x100  }
0xe: {  	[sflag:s28] =	ssyncset.done $0x0  }
0xf: {  	[sflag:s28] =	ssyncadd.s32 $0xFFFFFF00  }
0x10: {  	v1 =	vld.idx.msk [tilespmem:v0+s6+$0x0], $0xffff  }
0x11: {  	v2 =	vor.u32 $0x10, v0;
	_ =	sdelay $0x3  }
0x12: {  	[tilespmem:$0x3900] =	vst v1  }
0x13: {  	v1 =	vld.idx.msk [tilespmem:v2+s6+$0x0], $0xffff  }
0x14: {  	v2 =	vor.u32 $0x20, v0;
	_ =	sdelay $0x3  }
0x15: {  	[tilespmem:$0x3910] =	vst v1  }
0x16: {  	v1 =	vld.idx.msk [tilespmem:v2+s6+$0x0], $0xffff  }
0x17: {  	v2 =	vor.u32 $0x30, v0;
	_ =	sdelay $0x3  }
0x18: {  	[tilespmem:$0x3920] =	vst v1  }
0x19: {  	v1 =	vld.idx.msk [tilespmem:v2+s6+$0x0], $0xffff  }
0x1a: {  	v2 =	vor.u32 $0x40, v0;
	_ =	sdelay $0x3  }
0x1b: {  	[tilespmem:$0x3930] =	vst v1  }
0x1c: {  	v1 =	vld.idx.msk [tilespmem:v2+s6+$0x0], $0xffff  }
0x1d: {  	v2 =	vor.u32 $0x50, v0;
	_ =	sdelay $0x3  }
0x1e: {  	[tilespmem:$0x3940] =	vst v1  }
0x1f: {  	v1 =	vld.idx.msk [tilespmem:v2+s6+$0x0], $0xffff  }
0x20: {  	v2 =	vor.u32 $0x60, v0;
	_ =	sdelay $0x3  }
0x21: {  	[tilespmem:$0x3950] =	vst v1  }
0x22: {  	v1 =	vld.idx.msk [tilespmem:v2+s6+$0x0], $0xffff  }
0x23: {  	v2 =	vor.u32 $0x70, v0;
	_ =	sdelay $0x3  }
0x24: {  	[tilespmem:$0x3960] =	vst v1  }
0x25: {  	v1 =	vld.idx.msk [tilespmem:v2+s6+$0x0], $0xffff  }
0x26: {  	v2 =	vor.u32 $0x80, v0;
	_ =	sdelay $0x3  }
0x27: {  	[tilespmem:$0x3970] =	vst v1  }
0x28: {  	v1 =	vld.idx.msk [tilespmem:v2+s6+$0x0], $0xffff  }
0x29: {  	v2 =	vor.u32 $0x90, v0;
	_ =	sdelay $0x3  }
0x2a: {  	[tilespmem:$0x3980] =	vst v1  }
0x2b: {  	v1 =	vld.idx.msk [tilespmem:v2+s6+$0x0], $0xffff  }
0x2c: {  	v2 =	vor.u32 $0xA0, v0;
	_ =	sdelay $0x3  }
0x2d: {  	[tilespmem:$0x3990] =	vst v1  }
0x2e: {  	v1 =	vld.idx.msk [tilespmem:v2+s6+$0x0], $0xffff  }
0x2f: {  	v0 =	vor.u32 $0xB0, v0;
	_ =	sdelay $0x3  }
0x30: {  	[tilespmem:$0x39A0] =	vst v1  }
0x31: {  	v0 =	vld.idx.msk [tilespmem:v0+s6+$0x0], $0xffff;
	_ =	sdelay $0x4  }
0x32: {  	s29 =	simm.s32 $0x3;
	[tilespmem:$0x39B0] =	vst v0  }
0x33: {  	_ =	swait.ge [sflag:s29], $0x800  }
0x34: {  	[sflag:s29] =	ssyncset.done $0x0  }
0x35: {  	s30 =	simm.s32 $0x2;
	s5 =	sadd.s32 s5, s2;
	[sflag:s29] =	ssyncadd.s32 $0xFFFFF800  }
0x36: {  	[hbm4b:s5+s6] =	stream.linear.scatter [tilespmem:s26], [sflag:$0x3], $0x800, $0x38;
	[tilespmem:$0x39C0] =	vst v63  }
0x37: {  	_ =	swait.ge [sflag:s30], $0x1800  }
0x38: {  	[sflag:s30] =	ssyncset.done $0x0  }
0x39: {  	s31 =	simm.s32 $0x1910;
	[sflag:s30] =	ssyncadd.s32 $0xFFFFE800  }
0x3a: {  	v5 =	vld [tilespmem:s31+$0x0];
	_ =	sdelay $0x2  }
0x3b: {  	v0 =	vld [tilespmem:s31+$0xFFFFFFF0]  }
0x3c: {  	s4 =	simm.s32 $0x910  }
0x3d: {  	v7 =	vld [tilespmem:s4+$0xFFFFF800]  }
0x3e: {  	v9 =	vld [tilespmem:s4+$0x0]  }
0x3f: {  	s5 =	simm.s32 $0x3980;
	v13 =	vld [tilespmem:s4+$0x800]  }
0x40: {  	s7 =	simm.s32 $0x3990;
	v6 =	vld.idx.msk [tilespmem:v5+s5+$0x0], $0xffff  }
0x41: {  	s6 =	simm.s32 $0x39A0;
	v8 =	vld.idx.msk [tilespmem:v5+s7+$0x0], $0xffff  }
0x42: {  	s10 =	simm.s32 $0x3900;
	v10 =	vld.idx.msk [tilespmem:v5+s6+$0x0], $0xffff  }
0x43: {  	s11 =	simm.s32 $0x3910;
	v4 =	vld.idx.msk [tilespmem:v0+s10+$0x0], $0xffff  }
0x44: {  	s3 =	simm.s32 $0x39B0;
	v2 =	vld.idx.msk [tilespmem:v0+s11+$0x0], $0xffff  }
0x45: {  	s9 =	simm.s32 $0x3930;
	v11 =	vld.idx.msk [tilespmem:v5+s3+$0x0], $0xffff  }
0x46: {  	s8 =	simm.s32 $0x3970;
	v3 =	vld.idx.msk [tilespmem:v5+s9+$0x0], $0xffff  }
0x47: {  	v1 =	vld.idx.msk [tilespmem:v5+s8+$0x0], $0xffff  }
0x48: {  	v15 =	vld.idx.msk [tilespmem:v5+s10+$0x0], $0xffff  }
0x49: {  	s16 =	simm.s32 $0x3940;
	v16 =	vld.idx.msk [tilespmem:v5+s11+$0x0], $0xffff  }
0x4a: {  	s17 =	simm.s32 $0x3950;
	v17 =	vld.idx.msk [tilespmem:v5+s16+$0x0], $0xffff  }
0x4b: {  	s13 =	simm.s32 $0x3920;
	v18 =	vld.idx.msk [tilespmem:v5+s17+$0x0], $0xffff  }
0x4c: {  	s15 =	simm.s32 $0x3960;
	v12 =	vld.idx.msk [tilespmem:v5+s13+$0x0], $0xffff  }
0x4d: {  	v14 =	vld.idx.msk [tilespmem:v5+s15+$0x0], $0xffff;
	v6 =	vmul.f32 v7, v6;
	v8 =	vmul.f32 v9, v8  }
0x4e: {  	v5 =	vld.idx.msk [tilespmem:v0+s17+$0x0], $0xffff;
	v15 =	vmul.f32 v7, v15  }
0x4f: {  	v17 =	vmul.f32 v7, v17;
	v7 =	vld.idx.msk [tilespmem:v0+s13+$0x0], $0xffff;
	v6 =	vadd.f32 v8, v6;
	v8 =	vmul.f32 v13, v10  }
0x50: {  	v16 =	vmul.f32 v9, v16;
	v18 =	vmul.f32 v9, v18;
	v9 =	vld.idx.msk [tilespmem:v0+s15+$0x0], $0xffff  }
0x51: {  	v10 =	vld.idx.msk [tilespmem:v0+s16+$0x0], $0xffff;
	v19 =	vadd.f32 v8, v6  }
0x52: {  	v15 =	vadd.f32 v16, v15;
	v16 =	vmul.f32 v13, v12;
	v12 =	vld [tilespmem:s4+$0xFFFFFFF0]  }
0x53: {  	v19 =	vadd.f32 v19, v11;
	v11 =	vld [tilespmem:s4+$0xFFFFF7F0]  }
0x54: {  	v6 =	vld.idx.msk [tilespmem:v0+s5+$0x0], $0xffff  }
0x55: {  	s12 =	simm.s32 $0x2910;
	v8 =	vld.idx.msk [tilespmem:v0+s7+$0x0], $0xffff  }
0x56: {  	s18 =	simm.s32 $0x0;
	s19 =	simm.s32 $0x1930;
	s14 =	sadd.s32 $0xA00, s14;
	v13 =	vmul.f32 v13, v14;
	v14 =	vadd.f32 v16, v15;
	v15 =	vadd.f32 v18, v17;
	[tilespmem:s12+$0x800] =	vst v19  }
.LBB2_1:
0x57: {  	v16 =	vld [tilespmem:s19+$0x0]  }
0x58: {  	s18 =	sadd.s32 $0x2, s18;
	v17 =	vld [tilespmem:s19+$0xFFFFFFF0];
	v4 =	vmul.f32 v11, v4;
	v10 =	vmul.f32 v11, v10;
	v13 =	vadd.f32 v13, v15  }
0x59: {  	p0 =	slt.u32 s18, $0x7E;
	v3 =	vadd.f32 v14, v3;
	v15 =	vld.idx.msk [tilespmem:v0+s6+$0x0], $0xffff;
	v2 =	vmul.f32 v12, v2;
	v5 =	vmul.f32 v12, v5  }
0x5a: {  	v6 =	vmul.f32 v11, v6;
	v8 =	vmul.f32 v12, v8;
	v14 =	vld [tilespmem:s4+$0x7F0];
	v1 =	vadd.f32 v13, v1  }
0x5b: {  	v11 =	vld.idx.msk [tilespmem:v0+s9+$0x0], $0xffff;
	v2 =	vadd.f32 v2, v4;
	v4 =	vadd.f32 v5, v10;
	[tilespmem:s12+$0xFFFFF800] =	vst v3  }
0x5c: {  	v5 =	vadd.f32 v8, v6;
	v3 =	vld.idx.msk [tilespmem:v0+s8+$0x0], $0xffff;
	[tilespmem:s12+$0x0] =	vst v1  }
0x5d: {  	s4 =	sadd.s32 $0x20, s4;
	v1 =	vld.idx.msk [tilespmem:v0+s3+$0x0], $0xffff;
	v0 =	vmov v17  }
0x5e: {  	v12 =	vld [tilespmem:s4+$0xFFFFF800]  }
0x5f: {  	v6 =	vld.idx.msk [tilespmem:v16+s5+$0x0], $0xffff;
	v7 =	vmul.f32 v14, v7;
	v8 =	vmul.f32 v14, v9  }
0x60: {  	v10 =	vmul.f32 v14, v15;
	v9 =	vld.idx.msk [tilespmem:v16+s7+$0x0], $0xffff  }
0x61: {  	v14 =	vld [tilespmem:s4+$0x0];
	v2 =	vadd.f32 v7, v2;
	v4 =	vadd.f32 v8, v4  }
0x62: {  	v5 =	vadd.f32 v10, v5;
	v7 =	vld.idx.msk [tilespmem:v16+s6+$0x0], $0xffff  }
0x63: {  	v8 =	vld [tilespmem:s4+$0x800];
	v10 =	vadd.f32 v2, v11;
	v3 =	vadd.f32 v4, v3  }
0x64: {  	v1 =	vadd.f32 v5, v1;
	v4 =	vld.idx.msk [tilespmem:v17+s10+$0x0], $0xffff  }
0x65: {  	v2 =	vld.idx.msk [tilespmem:v17+s11+$0x0], $0xffff;
	[tilespmem:s12+$0xFFFFF7F0] =	vst v10  }
0x66: {  	v6 =	vmul.f32 v12, v6;
	v5 =	vld.idx.msk [tilespmem:v16+s3+$0x0], $0xffff;
	v9 =	vmul.f32 v14, v9;
	[tilespmem:s12+$0xFFFFFFF0] =	vst v3  }
0x67: {  	v3 =	vld.idx.msk [tilespmem:v16+s9+$0x0], $0xffff;
	[tilespmem:s12+$0x7F0] =	vst v1  }
0x68: {  	v1 =	vld.idx.msk [tilespmem:v16+s8+$0x0], $0xffff;
	v6 =	vadd.f32 v9, v6;
	v7 =	vmul.f32 v8, v7  }
0x69: {  	v9 =	vld.idx.msk [tilespmem:v16+s13+$0x0], $0xffff  }
0x6a: {  	v11 =	vld.idx.msk [tilespmem:v16+s15+$0x0], $0xffff;
	v6 =	vadd.f32 v7, v6  }
0x6b: {  	v7 =	vld.idx.msk [tilespmem:v16+s10+$0x0], $0xffff  }
0x6c: {  	v15 =	vld.idx.msk [tilespmem:v16+s11+$0x0], $0xffff;
	v5 =	vadd.f32 v6, v5  }
0x6d: {  	s12 =	sadd.s32 $0x20, s12;
	v17 =	vld.idx.msk [tilespmem:v16+s16+$0x0], $0xffff  }
0x6e: {  	v16 =	vld.idx.msk [tilespmem:v16+s17+$0x0], $0xffff;
	[tilespmem:s12+$0x800] =	vst v5  }
0x6f: {  	v18 =	vmul.f32 v8, v9;
	v10 =	vld.idx.msk [tilespmem:v0+s16+$0x0], $0xffff  }
0x70: {  	v13 =	vmul.f32 v8, v11;
	v5 =	vld.idx.msk [tilespmem:v0+s17+$0x0], $0xffff  }
0x71: {  	v7 =	vmul.f32 v12, v7;
	v6 =	vld.idx.msk [tilespmem:v0+s5+$0x0], $0xffff  }
.Ltmp0:
0x72: {  	v9 =	vmul.f32 v14, v15;
	v8 =	vld.idx.msk [tilespmem:v0+s7+$0x0], $0xffff;
	(pc) =	sbr.rel @p0 .LBB2_1-.Ltmp0, $4  }
0x73: {  	v15 =	vmul.f32 v12, v17;
	v11 =	vld [tilespmem:s4+$0xFFFFF7F0]  }
0x74: {  	v17 =	vadd.f32 v9, v7;
	v16 =	vmul.f32 v14, v16;
	v12 =	vld [tilespmem:s4+$0xFFFFFFF0]  }
0x75: {  	v7 =	vld.idx.msk [tilespmem:v0+s13+$0x0], $0xffff  }
0x76: {  	s19 =	sadd.s32 $0x20, s19;
	v14 =	vadd.f32 v18, v17;
	v15 =	vadd.f32 v16, v15;
	v9 =	vld.idx.msk [tilespmem:v0+s15+$0x0], $0xffff  }
0x77: {  	_ =	sdelay $0x1  }
0x78: {  	v16 =	vld [tilespmem:s4+$0x7F0];
	_ =	sdelay $0x1  }
0x79: {  	v17 =	vld.idx.msk [tilespmem:v0+s6+$0x0], $0xffff;
	v4 =	vmul.f32 v11, v4  }
0x7a: {  	v10 =	vmul.f32 v11, v10;
	v2 =	vmul.f32 v12, v2  }
0x7b: {  	v58 =	vld.idx.msk [tilespmem:v0+s9+$0x0], $0xffff;
	v13 =	vadd.f32 v13, v15;
	v6 =	vmul.f32 v11, v6;
	v5 =	vmul.f32 v12, v5  }
0x7c: {  	v59 =	vld.idx.msk [tilespmem:v0+s8+$0x0], $0xffff;
	v8 =	vmul.f32 v12, v8;
	v2 =	vadd.f32 v2, v4;
	v7 =	vmul.f32 v16, v7  }
0x7d: {  	v60 =	vld.idx.msk [tilespmem:v0+s3+$0x0], $0xffff;
	v3 =	vadd.f32 v14, v3;
	v5 =	vadd.f32 v5, v10;
	v9 =	vmul.f32 v16, v9  }
0x7e: {  	v6 =	vadd.f32 v8, v6;
	v61 =	vmul.f32 v16, v17;
	v2 =	vadd.f32 v7, v2  }
0x7f: {  	v1 =	vadd.f32 v13, v1;
	v5 =	vadd.f32 v9, v5  }
0x80: {  	[tilespmem:s12+$0xFFFFF800] =	vst v3;
	v62 =	vadd.f32 v61, v6;
	v2 =	vadd.f32 v2, v58  }
0x81: {  	[tilespmem:s12+$0x0] =	vst v1;
	v63 =	vadd.f32 v5, v59  }
0x82: {  	v0 =	vadd.f32 v62, v60;
	[tilespmem:s12+$0xFFFFF7F0] =	vst v2  }
0x83: {  	s2 =	sadd.s32 s14, s2;
	s28 =	simm.s32 $0x800;
	[tilespmem:s12+$0xFFFFFFF0] =	vst v63  }
0x84: {  	s29 =	simm.s32 $0x8000;
	s5 =	simm.s32 $0x2100;
	s30 =	simm.s32 $0x2;
	[tilespmem:s12+$0x7F0] =	vst v0  }
0x85: {  	[hbm4b:s2+s28] =	stream.strided.scatter [tilespmem:s5], [sflag:$0x2], $0x1800, s29, s28, $0x38;
	[tilespmem:$0x39C0] =	vst v63  }
0x86: {  	_ =	swait.ge [sflag:s30], $0x1800  }
0x87: {  	[sflag:s30] =	ssyncset.done $0x0  }
0x88: {  	s31 =	simm.s32 $0x3;
	[sflag:s30] =	ssyncadd.s32 $0xFFFFE800  }
0x89: {  	_ =	swait.ge [sflag:s31], $0x800  }
0x8a: {  	[sflag:s31] =	ssyncset.done $0x0  }
0x8b: {  	[sflag:s31] =	ssyncadd.s32 $0xFFFFF800  }
0x8c: {  	_ =	sfence.sel $0x180000  }
0x8d: {  	[bflag:$0x0] =	sbarrier.arrive $0xFFFF  }
0x8e: {  	p0 =	sne.s32 s1, $0x0;
	_ =	strace $0x90000047  }
0x8f: {  	s0 =	sadd.s32 @!p0 $0x100000, s0;
	[bflag:$0x2] =	sbarrier.arrive $0xFFFF  }
0x90: {  	[sflag:s0] =	ssyncadd.tile.s32 @!p0 $0x1;
	_ =	shalt  }
.Lfunc_end2:
_tile_overlayer_lowered:
.L_overlay_start_2:
0x91: {  	(tag) =	ssettag $0x2  }
0x92: {  	s0 =	rddreg [dreg:$0x0];
	s2 =	stileid.u32  }
0x93: {  	s1 =	rddreg [dreg:$0x1];
	p0 =	sne.s32 s2, $0x0  }
0x94: {  	s3 =	rddreg [dreg:$0x2];
	[bflag:$0x3] =	sbarrier.arrive $0xFFFF;
	s2 =	simm.s32 @!p0 $0x1C04  }
0x95: {  	[timem:s3], [sflag:s2] =	dma.local @!p0 [hbm:s0], s1  }
0x96: {  	s0 =	simm.s32 @!p0 $0x4  }
0x97: {  	_ =	swait.ge @!p0 [sflag:s0], s1  }
0x98: {  	s1 =	ssub.s32 @!p0 $0x0, s1;
	[sflag:s0] =	ssyncset.done @!p0 $0x0  }
0x99: {  	[sflag:s0] =	ssyncadd.s32 @!p0 s1  }
0x9a: {  	[bflag:$0x3] =	sbarrier.arrive $0xFFFF  }
0x9b: {  	_ =	shalt  }

</sc_bundles>
